<compile_context>
chip_gen: v7x
topology: tpu7x:2x2x1
jax: 0.10.2.dev20260603
libtpu: 0.0.44.dev20260713+nightly
codegen_flags: <defaults>
</compile_context>

<pallas_src>
import functools

import jax
import jax.numpy as jnp
from jax import lax
from jax.experimental import pallas as pl
from jax.experimental.pallas import tpu as pltpu
from jax.experimental.pallas import tpu_sc as plsc

_BATCH = 16384
_D = 64
_NC = 2
_NS = 16
_NW = _NC * _NS
_BPW = _BATCH // _NW
_CH = 128
_NCH = _BPW // _CH


def _gather_body(idx_hbm, ut_hbm, it_hbm, u_hbm, p_hbm, n_hbm,
                 idx_v, stage_v, sem):
    wid = lax.axis_index("s") * _NC + lax.axis_index("c")
    base = wid * _BPW
    pltpu.sync_copy(idx_hbm.at[wid], idx_v)

    tables = (ut_hbm, it_hbm, it_hbm)
    outs = (u_hbm, p_hbm, n_hbm)

    for c in range(3):
        copies = []
        for j in range(_NCH):
            copies.append(
                pltpu.async_copy(
                    tables[c].at[idx_v.at[c, j]],
                    stage_v.at[pl.ds(j * _CH, _CH)],
                    sem,
                )
            )
        for cp in copies:
            cp.wait()
        pltpu.sync_copy(stage_v, outs[c].at[pl.ds(base, _BPW)])


_mesh = plsc.VectorSubcoreMesh(core_axis_name="c", subcore_axis_name="s")

_gather_call = functools.partial(
    pl.kernel,
    out_type=[jax.ShapeDtypeStruct((_BATCH, 2 * _D), jnp.float32)] * 3,
    mesh=_mesh,
    scratch_types=[
        pltpu.VMEM((3, _NCH, _CH), jnp.int32),
        pltpu.VMEM((_BPW, 2 * _D), jnp.float32),
        pltpu.SemaphoreType.DMA,
    ],
    compiler_params=pltpu.CompilerParams(use_tc_tiling_on_sc=True),
)(_gather_body)


def kernel(user, pos, neg, user_table, item_table):
    idx = jnp.stack(
        [
            (user >> 1).reshape(_NW, _NCH, _CH),
            (pos >> 1).reshape(_NW, _NCH, _CH),
            (neg >> 1).reshape(_NW, _NCH, _CH),
        ],
        axis=1,
    )
    u2 = user_table.reshape(-1, 2 * _D)
    i2 = item_table.reshape(-1, 2 * _D)
    u_f, p_f, n_f = _gather_call(idx, u2, i2)

    def _half(full, v):
        odd = (v & 1) == 1
        return jnp.where(odd, full[:, _D:], full[:, :_D])

    return jnp.concatenate(
        [_half(u_f, user), _half(p_f, pos), _half(n_f, neg)], axis=-1
    ).reshape(_BATCH, 1, 3 * _D)

# --- scband reference (transcript-rebuilt; emitter-appended) ---
"""Pipeline reference for scband-bi-gn-10952166605434 (READ-ONLY COPY).

The authoritative reference and input builder live on the scoring server;
editing this copy changes nothing except your own understanding.
"""

import jax, jax.numpy as jnp
import numpy as np

USER_VOCAB = 1000000
ITEM_VOCAB = 1000000
EMBED_DIM = 64
BATCH = 16384

def setup_inputs(seed: int = 0) -> dict:
    key = jax.random.key(seed)
    k1, k2, k3, k4, k5 = jax.random.split(key, 5)
    user = jax.random.randint(k1, (BATCH, 1), 0, USER_VOCAB, dtype=jnp.int64 if jax.config.jax_enable_x64 else jnp.int32).astype(jnp.int32)
    pos = jax.random.randint(k2, (BATCH, 1), 0, ITEM_VOCAB, dtype=jnp.int32)
    neg = jax.random.randint(k3, (BATCH, 1), 0, ITEM_VOCAB, dtype=jnp.int32)
    # learned parameters: embedding tables (random_normal init in keras)
    user_table = jax.random.normal(k4, (USER_VOCAB, EMBED_DIM), dtype=jnp.float32) * 0.05
    item_table = jax.random.normal(k5, (ITEM_VOCAB, EMBED_DIM), dtype=jnp.float32) * 0.05
    return {"user": user, "pos": pos, "neg": neg, "user_table": user_table, "item_table": item_table}

def reference(user, pos, neg, user_table, item_table):
    # Faithful translation of BiGN.call: three embedding lookups + concat on last axis.
    # keras Embedding on [B,1] int input -> [B,1,embed_dim]
    user_embed = jnp.take(user_table, user, axis=0)   # [B, 1, D]
    pos_embed = jnp.take(item_table, pos, axis=0)     # [B, 1, D]
    neg_embed = jnp.take(item_table, neg, axis=0)     # [B, 1, D]
    logits = jnp.concatenate([user_embed, pos_embed, neg_embed], axis=-1)  # [B, 1, 3D]
    return logits

if __name__ == "__main__":
    import jax
    _d = setup_inputs()
    print(jax.jit(kernel)(*tuple(_d.values())))

</pallas_src>

<mosaic_0001>
#map = affine_map<(d0, d1) -> (0, 0, 0, 0)>
#map1 = affine_map<(d0, d1) -> (0, 0)>
module attributes {stable_mosaic.version = 14 : i64} {
  func.func @_gather_body(%arg0: i32, %arg1: i32, %arg2: memref<32x3x4x128xi32, #tpu.memory_space<hbm>>, %arg3: memref<500000x128xf32, #tpu.memory_space<hbm>>, %arg4: memref<500000x128xf32, #tpu.memory_space<hbm>>, %arg5: memref<16384x128xf32, #tpu.memory_space<hbm>>, %arg6: memref<16384x128xf32, #tpu.memory_space<hbm>>, %arg7: memref<16384x128xf32, #tpu.memory_space<hbm>>, %arg8: memref<3x4x128xi32, #tpu.memory_space<vmem>>, %arg9: memref<512x128xf32, #tpu.memory_space<vmem>>, %arg10: memref<!tpu.dma_semaphore, #tpu.memory_space<semaphore_mem>>) attributes {dimension_semantics = [#tpu.dimension_semantics<core_parallel>, #tpu.dimension_semantics<subcore_parallel>], iteration_bounds = array<i64: 2, 16>, scalar_prefetch = 0 : i64, scratch_operands = 3 : i64, tpu.core_type = #tpu.core_type<sc_vector_subcore>, window_params = [{transform_indices = #map}, {transform_indices = #map1}, {transform_indices = #map1}, {transform_indices = #map1}, {transform_indices = #map1}, {transform_indices = #map1}]} {
    %mul3A = arith.constant 2 : i32
    %mul3A_0 = arith.muli %arg1, %mul3A : i32
    %add3A = arith.addi %mul3A_0, %arg0 : i32
    %mul3A_1 = arith.constant 512 : i32
    %mul3A_2 = arith.muli %add3A, %mul3A_1 : i32
    "tpu.region"() ({
      %run_scoped3A = tpu.sem_alloc : memref<!tpu.dma_semaphore, #tpu.memory_space<semaphore_mem>>
      %dma_start3A_265 = arith.constant 0 : i32
      %dma_start3A_266 = arith.constant 0 : i32
      %dma_start3A_267 = arith.constant 0 : i32
      %dma_start3A_268 = tpu.memref_slice %arg2[%add3A, %dma_start3A_265, %dma_start3A_266, %dma_start3A_267] : memref<32x3x4x128xi32, #tpu.memory_space<hbm>> -> memref<1x3x4x128xi32, #tpu.memory_space<hbm>>
      %dma_start3A_269 = tpu.memref_squeeze %dma_start3A_268 : memref<1x3x4x128xi32, #tpu.memory_space<hbm>> -> memref<3x4x128xi32, #tpu.memory_space<hbm>>
      %dma_start3A_270 = arith.constant 0 : i32
      %dma_start3A_271 = arith.constant 0 : i32
      %dma_start3A_272 = arith.constant 0 : i32
      %dma_start3A_273 = tpu.memref_slice %arg2[%add3A, %dma_start3A_270, %dma_start3A_271, %dma_start3A_272] : memref<32x3x4x128xi32, #tpu.memory_space<hbm>> -> memref<1x3x4x128xi32, #tpu.memory_space<hbm>>
      %dma_start3A_274 = tpu.memref_squeeze %dma_start3A_273 : memref<1x3x4x128xi32, #tpu.memory_space<hbm>> -> memref<3x4x128xi32, #tpu.memory_space<hbm>>
      tpu.enqueue_dma source(%dma_start3A_274 : memref<3x4x128xi32, #tpu.memory_space<hbm>>) target(%arg8 : memref<3x4x128xi32, #tpu.memory_space<vmem>>) target_semaphore(%run_scoped3A : memref<!tpu.dma_semaphore, #tpu.memory_space<semaphore_mem>>)
      %dma_wait3A_275 = arith.constant 0 : i32
      %dma_wait3A_276 = arith.constant 0 : i32
      %dma_wait3A_277 = arith.constant 0 : i32
      %dma_wait3A_278 = tpu.memref_slice %arg2[%add3A, %dma_wait3A_275, %dma_wait3A_276, %dma_wait3A_277] : memref<32x3x4x128xi32, #tpu.memory_space<hbm>> -> memref<1x3x4x128xi32, #tpu.memory_space<hbm>>
      %dma_wait3A_279 = tpu.memref_squeeze %dma_wait3A_278 : memref<1x3x4x128xi32, #tpu.memory_space<hbm>> -> memref<3x4x128xi32, #tpu.memory_space<hbm>>
      %dma_wait3A_280 = arith.constant 0 : i32
      %dma_wait3A_281 = arith.constant 0 : i32
      %dma_wait3A_282 = arith.constant 0 : i32
      %dma_wait3A_283 = tpu.memref_slice %arg2[%add3A, %dma_wait3A_280, %dma_wait3A_281, %dma_wait3A_282] : memref<32x3x4x128xi32, #tpu.memory_space<hbm>> -> memref<1x3x4x128xi32, #tpu.memory_space<hbm>>
      %dma_wait3A_284 = tpu.memref_squeeze %dma_wait3A_283 : memref<1x3x4x128xi32, #tpu.memory_space<hbm>> -> memref<3x4x128xi32, #tpu.memory_space<hbm>>
      tpu.wait_dma2 semaphore(%run_scoped3A : memref<!tpu.dma_semaphore, #tpu.memory_space<semaphore_mem>>) src(%dma_wait3A_284 : memref<3x4x128xi32, #tpu.memory_space<hbm>>) dst(%arg8 : memref<3x4x128xi32, #tpu.memory_space<vmem>>)
      tpu.yield
    }) : () -> ()
    %dma_start3A = arith.constant 0 : i32
    %dma_start3A_3 = arith.constant 0 : i32
    %dma_start3A_4 = arith.constant 0 : i32
    %dma_start3A_5 = arith.constant 0 : i32
    %dma_start3A_6 = tpu.memref_slice %arg9[%dma_start3A_4, %dma_start3A_5] : memref<512x128xf32, #tpu.memory_space<vmem>> -> memref<128x128xf32, #tpu.memory_space<vmem>>
    %dma_start3A_7 = arith.constant 0 : i32
    %dma_start3A_8 = tpu.memref_slice %arg8[%dma_start3A, %dma_start3A_3, %dma_start3A_7] : memref<3x4x128xi32, #tpu.memory_space<vmem>> -> memref<1x1x128xi32, #tpu.memory_space<vmem>>
    %dma_start3A_9 = tpu.memref_squeeze %dma_start3A_8 : memref<1x1x128xi32, #tpu.memory_space<vmem>> -> memref<128xi32, #tpu.memory_space<vmem>>
    %dma_start3A_10 = arith.constant 0 : i32
    %dma_start3A_11 = arith.constant 0 : i32
    %dma_start3A_12 = tpu.memref_slice %arg3[%dma_start3A_10, %dma_start3A_11] : memref<500000x128xf32, #tpu.memory_space<hbm>> -> memref<500000x128xf32, #tpu.memory_space<hbm>>
    tpu.enqueue_indirect_dma source(%dma_start3A_12 : memref<500000x128xf32, #tpu.memory_space<hbm>>) target(%dma_start3A_6 : memref<128x128xf32, #tpu.memory_space<vmem>>) offsets(%dma_start3A_9 : memref<128xi32, #tpu.memory_space<vmem>>) semaphore(%arg10 : memref<!tpu.dma_semaphore, #tpu.memory_space<semaphore_mem>>)
    %dma_start3A_13 = arith.constant 0 : i32
    %dma_start3A_14 = arith.constant 1 : i32
    %dma_start3A_15 = arith.constant 128 : i32
    %dma_start3A_16 = arith.constant 0 : i32
    %dma_start3A_17 = tpu.memref_slice %arg9[%dma_start3A_15, %dma_start3A_16] : memref<512x128xf32, #tpu.memory_space<vmem>> -> memref<128x128xf32, #tpu.memory_space<vmem>>
    %dma_start3A_18 = arith.constant 0 : i32
    %dma_start3A_19 = tpu.memref_slice %arg8[%dma_start3A_13, %dma_start3A_14, %dma_start3A_18] : memref<3x4x128xi32, #tpu.memory_space<vmem>> -> memref<1x1x128xi32, #tpu.memory_space<vmem>>
    %dma_start3A_20 = tpu.memref_squeeze %dma_start3A_19 : memref<1x1x128xi32, #tpu.memory_space<vmem>> -> memref<128xi32, #tpu.memory_space<vmem>>
    %dma_start3A_21 = arith.constant 0 : i32
    %dma_start3A_22 = arith.constant 0 : i32
    %dma_start3A_23 = tpu.memref_slice %arg3[%dma_start3A_21, %dma_start3A_22] : memref<500000x128xf32, #tpu.memory_space<hbm>> -> memref<500000x128xf32, #tpu.memory_space<hbm>>
    tpu.enqueue_indirect_dma source(%dma_start3A_23 : memref<500000x128xf32, #tpu.memory_space<hbm>>) target(%dma_start3A_17 : memref<128x128xf32, #tpu.memory_space<vmem>>) offsets(%dma_start3A_20 : memref<128xi32, #tpu.memory_space<vmem>>) semaphore(%arg10 : memref<!tpu.dma_semaphore, #tpu.memory_space<semaphore_mem>>)
    %dma_start3A_24 = arith.constant 0 : i32
    %dma_start3A_25 = arith.constant 2 : i32
    %dma_start3A_26 = arith.constant 256 : i32
    %dma_start3A_27 = arith.constant 0 : i32
    %dma_start3A_28 = tpu.memref_slice %arg9[%dma_start3A_26, %dma_start3A_27] : memref<512x128xf32, #tpu.memory_space<vmem>> -> memref<128x128xf32, #tpu.memory_space<vmem>>
    %dma_start3A_29 = arith.constant 0 : i32
    %dma_start3A_30 = tpu.memref_slice %arg8[%dma_start3A_24, %dma_start3A_25, %dma_start3A_29] : memref<3x4x128xi32, #tpu.memory_space<vmem>> -> memref<1x1x128xi32, #tpu.memory_space<vmem>>
    %dma_start3A_31 = tpu.memref_squeeze %dma_start3A_30 : memref<1x1x128xi32, #tpu.memory_space<vmem>> -> memref<128xi32, #tpu.memory_space<vmem>>
    %dma_start3A_32 = arith.constant 0 : i32
    %dma_start3A_33 = arith.constant 0 : i32
    %dma_start3A_34 = tpu.memref_slice %arg3[%dma_start3A_32, %dma_start3A_33] : memref<500000x128xf32, #tpu.memory_space<hbm>> -> memref<500000x128xf32, #tpu.memory_space<hbm>>
    tpu.enqueue_indirect_dma source(%dma_start3A_34 : memref<500000x128xf32, #tpu.memory_space<hbm>>) target(%dma_start3A_28 : memref<128x128xf32, #tpu.memory_space<vmem>>) offsets(%dma_start3A_31 : memref<128xi32, #tpu.memory_space<vmem>>) semaphore(%arg10 : memref<!tpu.dma_semaphore, #tpu.memory_space<semaphore_mem>>)
    %dma_start3A_35 = arith.constant 0 : i32
    %dma_start3A_36 = arith.constant 3 : i32
    %dma_start3A_37 = arith.constant 384 : i32
    %dma_start3A_38 = arith.constant 0 : i32
    %dma_start3A_39 = tpu.memref_slice %arg9[%dma_start3A_37, %dma_start3A_38] : memref<512x128xf32, #tpu.memory_space<vmem>> -> memref<128x128xf32, #tpu.memory_space<vmem>>
    %dma_start3A_40 = arith.constant 0 : i32
    %dma_start3A_41 = tpu.memref_slice %arg8[%dma_start3A_35, %dma_start3A_36, %dma_start3A_40] : memref<3x4x128xi32, #tpu.memory_space<vmem>> -> memref<1x1x128xi32, #tpu.memory_space<vmem>>
    %dma_start3A_42 = tpu.memref_squeeze %dma_start3A_41 : memref<1x1x128xi32, #tpu.memory_space<vmem>> -> memref<128xi32, #tpu.memory_space<vmem>>
    %dma_start3A_43 = arith.constant 0 : i32
    %dma_start3A_44 = arith.constant 0 : i32
    %dma_start3A_45 = tpu.memref_slice %arg3[%dma_start3A_43, %dma_start3A_44] : memref<500000x128xf32, #tpu.memory_space<hbm>> -> memref<500000x128xf32, #tpu.memory_space<hbm>>
    tpu.enqueue_indirect_dma source(%dma_start3A_45 : memref<500000x128xf32, #tpu.memory_space<hbm>>) target(%dma_start3A_39 : memref<128x128xf32, #tpu.memory_space<vmem>>) offsets(%dma_start3A_42 : memref<128xi32, #tpu.memory_space<vmem>>) semaphore(%arg10 : memref<!tpu.dma_semaphore, #tpu.memory_space<semaphore_mem>>)
    %dma_wait3A = arith.constant 0 : i32
    %dma_wait3A_46 = arith.constant 0 : i32
    %dma_wait3A_47 = arith.constant 0 : i32
    %dma_wait3A_48 = arith.constant 0 : i32
    %dma_wait3A_49 = tpu.memref_slice %arg9[%dma_wait3A_47, %dma_wait3A_48] : memref<512x128xf32, #tpu.memory_space<vmem>> -> memref<128x128xf32, #tpu.memory_space<vmem>>
    %dma_wait3A_50 = arith.constant 0 : i32
    %dma_wait3A_51 = tpu.memref_slice %arg8[%dma_wait3A, %dma_wait3A_46, %dma_wait3A_50] : memref<3x4x128xi32, #tpu.memory_space<vmem>> -> memref<1x1x128xi32, #tpu.memory_space<vmem>>
    %dma_wait3A_52 = tpu.memref_squeeze %dma_wait3A_51 : memref<1x1x128xi32, #tpu.memory_space<vmem>> -> memref<128xi32, #tpu.memory_space<vmem>>
    %dma_wait3A_53 = arith.constant 0 : i32
    %dma_wait3A_54 = arith.constant 0 : i32
    %dma_wait3A_55 = tpu.memref_slice %arg3[%dma_wait3A_53, %dma_wait3A_54] : memref<500000x128xf32, #tpu.memory_space<hbm>> -> memref<500000x128xf32, #tpu.memory_space<hbm>>
    tpu.wait_indirect_dma semaphore(%arg10 : memref<!tpu.dma_semaphore, #tpu.memory_space<semaphore_mem>>) src(%dma_wait3A_55 : memref<500000x128xf32, #tpu.memory_space<hbm>>) dst(%dma_wait3A_49 : memref<128x128xf32, #tpu.memory_space<vmem>>)
    %dma_wait3A_56 = arith.constant 0 : i32
    %dma_wait3A_57 = arith.constant 1 : i32
    %dma_wait3A_58 = arith.constant 128 : i32
    %dma_wait3A_59 = arith.constant 0 : i32
    %dma_wait3A_60 = tpu.memref_slice %arg9[%dma_wait3A_58, %dma_wait3A_59] : memref<512x128xf32, #tpu.memory_space<vmem>> -> memref<128x128xf32, #tpu.memory_space<vmem>>
    %dma_wait3A_61 = arith.constant 0 : i32
    %dma_wait3A_62 = tpu.memref_slice %arg8[%dma_wait3A_56, %dma_wait3A_57, %dma_wait3A_61] : memref<3x4x128xi32, #tpu.memory_space<vmem>> -> memref<1x1x128xi32, #tpu.memory_space<vmem>>
    %dma_wait3A_63 = tpu.memref_squeeze %dma_wait3A_62 : memref<1x1x128xi32, #tpu.memory_space<vmem>> -> memref<128xi32, #tpu.memory_space<vmem>>
    %dma_wait3A_64 = arith.constant 0 : i32
    %dma_wait3A_65 = arith.constant 0 : i32
    %dma_wait3A_66 = tpu.memref_slice %arg3[%dma_wait3A_64, %dma_wait3A_65] : memref<500000x128xf32, #tpu.memory_space<hbm>> -> memref<500000x128xf32, #tpu.memory_space<hbm>>
    tpu.wait_indirect_dma semaphore(%arg10 : memref<!tpu.dma_semaphore, #tpu.memory_space<semaphore_mem>>) src(%dma_wait3A_66 : memref<500000x128xf32, #tpu.memory_space<hbm>>) dst(%dma_wait3A_60 : memref<128x128xf32, #tpu.memory_space<vmem>>)
    %dma_wait3A_67 = arith.constant 0 : i32
    %dma_wait3A_68 = arith.constant 2 : i32
    %dma_wait3A_69 = arith.constant 256 : i32
    %dma_wait3A_70 = arith.constant 0 : i32
    %dma_wait3A_71 = tpu.memref_slice %arg9[%dma_wait3A_69, %dma_wait3A_70] : memref<512x128xf32, #tpu.memory_space<vmem>> -> memref<128x128xf32, #tpu.memory_space<vmem>>
    %dma_wait3A_72 = arith.constant 0 : i32
    %dma_wait3A_73 = tpu.memref_slice %arg8[%dma_wait3A_67, %dma_wait3A_68, %dma_wait3A_72] : memref<3x4x128xi32, #tpu.memory_space<vmem>> -> memref<1x1x128xi32, #tpu.memory_space<vmem>>
    %dma_wait3A_74 = tpu.memref_squeeze %dma_wait3A_73 : memref<1x1x128xi32, #tpu.memory_space<vmem>> -> memref<128xi32, #tpu.memory_space<vmem>>
    %dma_wait3A_75 = arith.constant 0 : i32
    %dma_wait3A_76 = arith.constant 0 : i32
    %dma_wait3A_77 = tpu.memref_slice %arg3[%dma_wait3A_75, %dma_wait3A_76] : memref<500000x128xf32, #tpu.memory_space<hbm>> -> memref<500000x128xf32, #tpu.memory_space<hbm>>
    tpu.wait_indirect_dma semaphore(%arg10 : memref<!tpu.dma_semaphore, #tpu.memory_space<semaphore_mem>>) src(%dma_wait3A_77 : memref<500000x128xf32, #tpu.memory_space<hbm>>) dst(%dma_wait3A_71 : memref<128x128xf32, #tpu.memory_space<vmem>>)
    %dma_wait3A_78 = arith.constant 0 : i32
    %dma_wait3A_79 = arith.constant 3 : i32
    %dma_wait3A_80 = arith.constant 384 : i32
    %dma_wait3A_81 = arith.constant 0 : i32
    %dma_wait3A_82 = tpu.memref_slice %arg9[%dma_wait3A_80, %dma_wait3A_81] : memref<512x128xf32, #tpu.memory_space<vmem>> -> memref<128x128xf32, #tpu.memory_space<vmem>>
    %dma_wait3A_83 = arith.constant 0 : i32
    %dma_wait3A_84 = tpu.memref_slice %arg8[%dma_wait3A_78, %dma_wait3A_79, %dma_wait3A_83] : memref<3x4x128xi32, #tpu.memory_space<vmem>> -> memref<1x1x128xi32, #tpu.memory_space<vmem>>
    %dma_wait3A_85 = tpu.memref_squeeze %dma_wait3A_84 : memref<1x1x128xi32, #tpu.memory_space<vmem>> -> memref<128xi32, #tpu.memory_space<vmem>>
    %dma_wait3A_86 = arith.constant 0 : i32
    %dma_wait3A_87 = arith.constant 0 : i32
    %dma_wait3A_88 = tpu.memref_slice %arg3[%dma_wait3A_86, %dma_wait3A_87] : memref<500000x128xf32, #tpu.memory_space<hbm>> -> memref<500000x128xf32, #tpu.memory_space<hbm>>
    tpu.wait_indirect_dma semaphore(%arg10 : memref<!tpu.dma_semaphore, #tpu.memory_space<semaphore_mem>>) src(%dma_wait3A_88 : memref<500000x128xf32, #tpu.memory_space<hbm>>) dst(%dma_wait3A_82 : memref<128x128xf32, #tpu.memory_space<vmem>>)
    "tpu.region"() ({
      %run_scoped3A = tpu.sem_alloc : memref<!tpu.dma_semaphore, #tpu.memory_space<semaphore_mem>>
      %dma_start3A_265 = arith.constant 0 : i32
      %dma_start3A_266 = tpu.memref_slice %arg5[%mul3A_2, %dma_start3A_265] : memref<16384x128xf32, #tpu.memory_space<hbm>> -> memref<512x128xf32, #tpu.memory_space<hbm>>
      %dma_start3A_267 = arith.constant 0 : i32
      %dma_start3A_268 = tpu.memref_slice %arg5[%mul3A_2, %dma_start3A_267] : memref<16384x128xf32, #tpu.memory_space<hbm>> -> memref<512x128xf32, #tpu.memory_space<hbm>>
      tpu.enqueue_dma source(%arg9 : memref<512x128xf32, #tpu.memory_space<vmem>>) target(%dma_start3A_268 : memref<512x128xf32, #tpu.memory_space<hbm>>) target_semaphore(%run_scoped3A : memref<!tpu.dma_semaphore, #tpu.memory_space<semaphore_mem>>)
      %dma_wait3A_269 = arith.constant 0 : i32
      %dma_wait3A_270 = tpu.memref_slice %arg5[%mul3A_2, %dma_wait3A_269] : memref<16384x128xf32, #tpu.memory_space<hbm>> -> memref<512x128xf32, #tpu.memory_space<hbm>>
      %dma_wait3A_271 = arith.constant 0 : i32
      %dma_wait3A_272 = tpu.memref_slice %arg5[%mul3A_2, %dma_wait3A_271] : memref<16384x128xf32, #tpu.memory_space<hbm>> -> memref<512x128xf32, #tpu.memory_space<hbm>>
      tpu.wait_dma2 semaphore(%run_scoped3A : memref<!tpu.dma_semaphore, #tpu.memory_space<semaphore_mem>>) src(%arg9 : memref<512x128xf32, #tpu.memory_space<vmem>>) dst(%dma_wait3A_272 : memref<512x128xf32, #tpu.memory_space<hbm>>)
      tpu.yield
    }) : () -> ()
    %dma_start3A_89 = arith.constant 1 : i32
    %dma_start3A_90 = arith.constant 0 : i32
    %dma_start3A_91 = arith.constant 0 : i32
    %dma_start3A_92 = arith.constant 0 : i32
    %dma_start3A_93 = tpu.memref_slice %arg9[%dma_start3A_91, %dma_start3A_92] : memref<512x128xf32, #tpu.memory_space<vmem>> -> memref<128x128xf32, #tpu.memory_space<vmem>>
    %dma_start3A_94 = arith.constant 0 : i32
    %dma_start3A_95 = tpu.memref_slice %arg8[%dma_start3A_89, %dma_start3A_90, %dma_start3A_94] : memref<3x4x128xi32, #tpu.memory_space<vmem>> -> memref<1x1x128xi32, #tpu.memory_space<vmem>>
    %dma_start3A_96 = tpu.memref_squeeze %dma_start3A_95 : memref<1x1x128xi32, #tpu.memory_space<vmem>> -> memref<128xi32, #tpu.memory_space<vmem>>
    %dma_start3A_97 = arith.constant 0 : i32
    %dma_start3A_98 = arith.constant 0 : i32
    %dma_start3A_99 = tpu.memref_slice %arg4[%dma_start3A_97, %dma_start3A_98] : memref<500000x128xf32, #tpu.memory_space<hbm>> -> memref<500000x128xf32, #tpu.memory_space<hbm>>
    tpu.enqueue_indirect_dma source(%dma_start3A_99 : memref<500000x128xf32, #tpu.memory_space<hbm>>) target(%dma_start3A_93 : memref<128x128xf32, #tpu.memory_space<vmem>>) offsets(%dma_start3A_96 : memref<128xi32, #tpu.memory_space<vmem>>) semaphore(%arg10 : memref<!tpu.dma_semaphore, #tpu.memory_space<semaphore_mem>>)
    %dma_start3A_100 = arith.constant 1 : i32
    %dma_start3A_101 = arith.constant 1 : i32
    %dma_start3A_102 = arith.constant 128 : i32
    %dma_start3A_103 = arith.constant 0 : i32
    %dma_start3A_104 = tpu.memref_slice %arg9[%dma_start3A_102, %dma_start3A_103] : memref<512x128xf32, #tpu.memory_space<vmem>> -> memref<128x128xf32, #tpu.memory_space<vmem>>
    %dma_start3A_105 = arith.constant 0 : i32
    %dma_start3A_106 = tpu.memref_slice %arg8[%dma_start3A_100, %dma_start3A_101, %dma_start3A_105] : memref<3x4x128xi32, #tpu.memory_space<vmem>> -> memref<1x1x128xi32, #tpu.memory_space<vmem>>
    %dma_start3A_107 = tpu.memref_squeeze %dma_start3A_106 : memref<1x1x128xi32, #tpu.memory_space<vmem>> -> memref<128xi32, #tpu.memory_space<vmem>>
    %dma_start3A_108 = arith.constant 0 : i32
    %dma_start3A_109 = arith.constant 0 : i32
    %dma_start3A_110 = tpu.memref_slice %arg4[%dma_start3A_108, %dma_start3A_109] : memref<500000x128xf32, #tpu.memory_space<hbm>> -> memref<500000x128xf32, #tpu.memory_space<hbm>>
    tpu.enqueue_indirect_dma source(%dma_start3A_110 : memref<500000x128xf32, #tpu.memory_space<hbm>>) target(%dma_start3A_104 : memref<128x128xf32, #tpu.memory_space<vmem>>) offsets(%dma_start3A_107 : memref<128xi32, #tpu.memory_space<vmem>>) semaphore(%arg10 : memref<!tpu.dma_semaphore, #tpu.memory_space<semaphore_mem>>)
    %dma_start3A_111 = arith.constant 1 : i32
    %dma_start3A_112 = arith.constant 2 : i32
    %dma_start3A_113 = arith.constant 256 : i32
    %dma_start3A_114 = arith.constant 0 : i32
    %dma_start3A_115 = tpu.memref_slice %arg9[%dma_start3A_113, %dma_start3A_114] : memref<512x128xf32, #tpu.memory_space<vmem>> -> memref<128x128xf32, #tpu.memory_space<vmem>>
    %dma_start3A_116 = arith.constant 0 : i32
    %dma_start3A_117 = tpu.memref_slice %arg8[%dma_start3A_111, %dma_start3A_112, %dma_start3A_116] : memref<3x4x128xi32, #tpu.memory_space<vmem>> -> memref<1x1x128xi32, #tpu.memory_space<vmem>>
    %dma_start3A_118 = tpu.memref_squeeze %dma_start3A_117 : memref<1x1x128xi32, #tpu.memory_space<vmem>> -> memref<128xi32, #tpu.memory_space<vmem>>
    %dma_start3A_119 = arith.constant 0 : i32
    %dma_start3A_120 = arith.constant 0 : i32
    %dma_start3A_121 = tpu.memref_slice %arg4[%dma_start3A_119, %dma_start3A_120] : memref<500000x128xf32, #tpu.memory_space<hbm>> -> memref<500000x128xf32, #tpu.memory_space<hbm>>
    tpu.enqueue_indirect_dma source(%dma_start3A_121 : memref<500000x128xf32, #tpu.memory_space<hbm>>) target(%dma_start3A_115 : memref<128x128xf32, #tpu.memory_space<vmem>>) offsets(%dma_start3A_118 : memref<128xi32, #tpu.memory_space<vmem>>) semaphore(%arg10 : memref<!tpu.dma_semaphore, #tpu.memory_space<semaphore_mem>>)
    %dma_start3A_122 = arith.constant 1 : i32
    %dma_start3A_123 = arith.constant 3 : i32
    %dma_start3A_124 = arith.constant 384 : i32
    %dma_start3A_125 = arith.constant 0 : i32
    %dma_start3A_126 = tpu.memref_slice %arg9[%dma_start3A_124, %dma_start3A_125] : memref<512x128xf32, #tpu.memory_space<vmem>> -> memref<128x128xf32, #tpu.memory_space<vmem>>
    %dma_start3A_127 = arith.constant 0 : i32
    %dma_start3A_128 = tpu.memref_slice %arg8[%dma_start3A_122, %dma_start3A_123, %dma_start3A_127] : memref<3x4x128xi32, #tpu.memory_space<vmem>> -> memref<1x1x128xi32, #tpu.memory_space<vmem>>
    %dma_start3A_129 = tpu.memref_squeeze %dma_start3A_128 : memref<1x1x128xi32, #tpu.memory_space<vmem>> -> memref<128xi32, #tpu.memory_space<vmem>>
    %dma_start3A_130 = arith.constant 0 : i32
    %dma_start3A_131 = arith.constant 0 : i32
    %dma_start3A_132 = tpu.memref_slice %arg4[%dma_start3A_130, %dma_start3A_131] : memref<500000x128xf32, #tpu.memory_space<hbm>> -> memref<500000x128xf32, #tpu.memory_space<hbm>>
    tpu.enqueue_indirect_dma source(%dma_start3A_132 : memref<500000x128xf32, #tpu.memory_space<hbm>>) target(%dma_start3A_126 : memref<128x128xf32, #tpu.memory_space<vmem>>) offsets(%dma_start3A_129 : memref<128xi32, #tpu.memory_space<vmem>>) semaphore(%arg10 : memref<!tpu.dma_semaphore, #tpu.memory_space<semaphore_mem>>)
    %dma_wait3A_133 = arith.constant 1 : i32
    %dma_wait3A_134 = arith.constant 0 : i32
    %dma_wait3A_135 = arith.constant 0 : i32
    %dma_wait3A_136 = arith.constant 0 : i32
    %dma_wait3A_137 = tpu.memref_slice %arg9[%dma_wait3A_135, %dma_wait3A_136] : memref<512x128xf32, #tpu.memory_space<vmem>> -> memref<128x128xf32, #tpu.memory_space<vmem>>
    %dma_wait3A_138 = arith.constant 0 : i32
    %dma_wait3A_139 = tpu.memref_slice %arg8[%dma_wait3A_133, %dma_wait3A_134, %dma_wait3A_138] : memref<3x4x128xi32, #tpu.memory_space<vmem>> -> memref<1x1x128xi32, #tpu.memory_space<vmem>>
    %dma_wait3A_140 = tpu.memref_squeeze %dma_wait3A_139 : memref<1x1x128xi32, #tpu.memory_space<vmem>> -> memref<128xi32, #tpu.memory_space<vmem>>
    %dma_wait3A_141 = arith.constant 0 : i32
    %dma_wait3A_142 = arith.constant 0 : i32
    %dma_wait3A_143 = tpu.memref_slice %arg4[%dma_wait3A_141, %dma_wait3A_142] : memref<500000x128xf32, #tpu.memory_space<hbm>> -> memref<500000x128xf32, #tpu.memory_space<hbm>>
    tpu.wait_indirect_dma semaphore(%arg10 : memref<!tpu.dma_semaphore, #tpu.memory_space<semaphore_mem>>) src(%dma_wait3A_143 : memref<500000x128xf32, #tpu.memory_space<hbm>>) dst(%dma_wait3A_137 : memref<128x128xf32, #tpu.memory_space<vmem>>)
    %dma_wait3A_144 = arith.constant 1 : i32
    %dma_wait3A_145 = arith.constant 1 : i32
    %dma_wait3A_146 = arith.constant 128 : i32
    %dma_wait3A_147 = arith.constant 0 : i32
    %dma_wait3A_148 = tpu.memref_slice %arg9[%dma_wait3A_146, %dma_wait3A_147] : memref<512x128xf32, #tpu.memory_space<vmem>> -> memref<128x128xf32, #tpu.memory_space<vmem>>
    %dma_wait3A_149 = arith.constant 0 : i32
    %dma_wait3A_150 = tpu.memref_slice %arg8[%dma_wait3A_144, %dma_wait3A_145, %dma_wait3A_149] : memref<3x4x128xi32, #tpu.memory_space<vmem>> -> memref<1x1x128xi32, #tpu.memory_space<vmem>>
    %dma_wait3A_151 = tpu.memref_squeeze %dma_wait3A_150 : memref<1x1x128xi32, #tpu.memory_space<vmem>> -> memref<128xi32, #tpu.memory_space<vmem>>
    %dma_wait3A_152 = arith.constant 0 : i32
    %dma_wait3A_153 = arith.constant 0 : i32
    %dma_wait3A_154 = tpu.memref_slice %arg4[%dma_wait3A_152, %dma_wait3A_153] : memref<500000x128xf32, #tpu.memory_space<hbm>> -> memref<500000x128xf32, #tpu.memory_space<hbm>>
    tpu.wait_indirect_dma semaphore(%arg10 : memref<!tpu.dma_semaphore, #tpu.memory_space<semaphore_mem>>) src(%dma_wait3A_154 : memref<500000x128xf32, #tpu.memory_space<hbm>>) dst(%dma_wait3A_148 : memref<128x128xf32, #tpu.memory_space<vmem>>)
    %dma_wait3A_155 = arith.constant 1 : i32
    %dma_wait3A_156 = arith.constant 2 : i32
    %dma_wait3A_157 = arith.constant 256 : i32
    %dma_wait3A_158 = arith.constant 0 : i32
    %dma_wait3A_159 = tpu.memref_slice %arg9[%dma_wait3A_157, %dma_wait3A_158] : memref<512x128xf32, #tpu.memory_space<vmem>> -> memref<128x128xf32, #tpu.memory_space<vmem>>
    %dma_wait3A_160 = arith.constant 0 : i32
    %dma_wait3A_161 = tpu.memref_slice %arg8[%dma_wait3A_155, %dma_wait3A_156, %dma_wait3A_160] : memref<3x4x128xi32, #tpu.memory_space<vmem>> -> memref<1x1x128xi32, #tpu.memory_space<vmem>>
    %dma_wait3A_162 = tpu.memref_squeeze %dma_wait3A_161 : memref<1x1x128xi32, #tpu.memory_space<vmem>> -> memref<128xi32, #tpu.memory_space<vmem>>
    %dma_wait3A_163 = arith.constant 0 : i32
    %dma_wait3A_164 = arith.constant 0 : i32
    %dma_wait3A_165 = tpu.memref_slice %arg4[%dma_wait3A_163, %dma_wait3A_164] : memref<500000x128xf32, #tpu.memory_space<hbm>> -> memref<500000x128xf32, #tpu.memory_space<hbm>>
    tpu.wait_indirect_dma semaphore(%arg10 : memref<!tpu.dma_semaphore, #tpu.memory_space<semaphore_mem>>) src(%dma_wait3A_165 : memref<500000x128xf32, #tpu.memory_space<hbm>>) dst(%dma_wait3A_159 : memref<128x128xf32, #tpu.memory_space<vmem>>)
    %dma_wait3A_166 = arith.constant 1 : i32
    %dma_wait3A_167 = arith.constant 3 : i32
    %dma_wait3A_168 = arith.constant 384 : i32
    %dma_wait3A_169 = arith.constant 0 : i32
    %dma_wait3A_170 = tpu.memref_slice %arg9[%dma_wait3A_168, %dma_wait3A_169] : memref<512x128xf32, #tpu.memory_space<vmem>> -> memref<128x128xf32, #tpu.memory_space<vmem>>
    %dma_wait3A_171 = arith.constant 0 : i32
    %dma_wait3A_172 = tpu.memref_slice %arg8[%dma_wait3A_166, %dma_wait3A_167, %dma_wait3A_171] : memref<3x4x128xi32, #tpu.memory_space<vmem>> -> memref<1x1x128xi32, #tpu.memory_space<vmem>>
    %dma_wait3A_173 = tpu.memref_squeeze %dma_wait3A_172 : memref<1x1x128xi32, #tpu.memory_space<vmem>> -> memref<128xi32, #tpu.memory_space<vmem>>
    %dma_wait3A_174 = arith.constant 0 : i32
    %dma_wait3A_175 = arith.constant 0 : i32
    %dma_wait3A_176 = tpu.memref_slice %arg4[%dma_wait3A_174, %dma_wait3A_175] : memref<500000x128xf32, #tpu.memory_space<hbm>> -> memref<500000x128xf32, #tpu.memory_space<hbm>>
    tpu.wait_indirect_dma semaphore(%arg10 : memref<!tpu.dma_semaphore, #tpu.memory_space<semaphore_mem>>) src(%dma_wait3A_176 : memref<500000x128xf32, #tpu.memory_space<hbm>>) dst(%dma_wait3A_170 : memref<128x128xf32, #tpu.memory_space<vmem>>)
    "tpu.region"() ({
      %run_scoped3A = tpu.sem_alloc : memref<!tpu.dma_semaphore, #tpu.memory_space<semaphore_mem>>
      %dma_start3A_265 = arith.constant 0 : i32
      %dma_start3A_266 = tpu.memref_slice %arg6[%mul3A_2, %dma_start3A_265] : memref<16384x128xf32, #tpu.memory_space<hbm>> -> memref<512x128xf32, #tpu.memory_space<hbm>>
      %dma_start3A_267 = arith.constant 0 : i32
      %dma_start3A_268 = tpu.memref_slice %arg6[%mul3A_2, %dma_start3A_267] : memref<16384x128xf32, #tpu.memory_space<hbm>> -> memref<512x128xf32, #tpu.memory_space<hbm>>
      tpu.enqueue_dma source(%arg9 : memref<512x128xf32, #tpu.memory_space<vmem>>) target(%dma_start3A_268 : memref<512x128xf32, #tpu.memory_space<hbm>>) target_semaphore(%run_scoped3A : memref<!tpu.dma_semaphore, #tpu.memory_space<semaphore_mem>>)
      %dma_wait3A_269 = arith.constant 0 : i32
      %dma_wait3A_270 = tpu.memref_slice %arg6[%mul3A_2, %dma_wait3A_269] : memref<16384x128xf32, #tpu.memory_space<hbm>> -> memref<512x128xf32, #tpu.memory_space<hbm>>
      %dma_wait3A_271 = arith.constant 0 : i32
      %dma_wait3A_272 = tpu.memref_slice %arg6[%mul3A_2, %dma_wait3A_271] : memref<16384x128xf32, #tpu.memory_space<hbm>> -> memref<512x128xf32, #tpu.memory_space<hbm>>
      tpu.wait_dma2 semaphore(%run_scoped3A : memref<!tpu.dma_semaphore, #tpu.memory_space<semaphore_mem>>) src(%arg9 : memref<512x128xf32, #tpu.memory_space<vmem>>) dst(%dma_wait3A_272 : memref<512x128xf32, #tpu.memory_space<hbm>>)
      tpu.yield
    }) : () -> ()
    %dma_start3A_177 = arith.constant 2 : i32
    %dma_start3A_178 = arith.constant 0 : i32
    %dma_start3A_179 = arith.constant 0 : i32
    %dma_start3A_180 = arith.constant 0 : i32
    %dma_start3A_181 = tpu.memref_slice %arg9[%dma_start3A_179, %dma_start3A_180] : memref<512x128xf32, #tpu.memory_space<vmem>> -> memref<128x128xf32, #tpu.memory_space<vmem>>
    %dma_start3A_182 = arith.constant 0 : i32
    %dma_start3A_183 = tpu.memref_slice %arg8[%dma_start3A_177, %dma_start3A_178, %dma_start3A_182] : memref<3x4x128xi32, #tpu.memory_space<vmem>> -> memref<1x1x128xi32, #tpu.memory_space<vmem>>
    %dma_start3A_184 = tpu.memref_squeeze %dma_start3A_183 : memref<1x1x128xi32, #tpu.memory_space<vmem>> -> memref<128xi32, #tpu.memory_space<vmem>>
    %dma_start3A_185 = arith.constant 0 : i32
    %dma_start3A_186 = arith.constant 0 : i32
    %dma_start3A_187 = tpu.memref_slice %arg4[%dma_start3A_185, %dma_start3A_186] : memref<500000x128xf32, #tpu.memory_space<hbm>> -> memref<500000x128xf32, #tpu.memory_space<hbm>>
    tpu.enqueue_indirect_dma source(%dma_start3A_187 : memref<500000x128xf32, #tpu.memory_space<hbm>>) target(%dma_start3A_181 : memref<128x128xf32, #tpu.memory_space<vmem>>) offsets(%dma_start3A_184 : memref<128xi32, #tpu.memory_space<vmem>>) semaphore(%arg10 : memref<!tpu.dma_semaphore, #tpu.memory_space<semaphore_mem>>)
    %dma_start3A_188 = arith.constant 2 : i32
    %dma_start3A_189 = arith.constant 1 : i32
    %dma_start3A_190 = arith.constant 128 : i32
    %dma_start3A_191 = arith.constant 0 : i32
    %dma_start3A_192 = tpu.memref_slice %arg9[%dma_start3A_190, %dma_start3A_191] : memref<512x128xf32, #tpu.memory_space<vmem>> -> memref<128x128xf32, #tpu.memory_space<vmem>>
    %dma_start3A_193 = arith.constant 0 : i32
    %dma_start3A_194 = tpu.memref_slice %arg8[%dma_start3A_188, %dma_start3A_189, %dma_start3A_193] : memref<3x4x128xi32, #tpu.memory_space<vmem>> -> memref<1x1x128xi32, #tpu.memory_space<vmem>>
    %dma_start3A_195 = tpu.memref_squeeze %dma_start3A_194 : memref<1x1x128xi32, #tpu.memory_space<vmem>> -> memref<128xi32, #tpu.memory_space<vmem>>
    %dma_start3A_196 = arith.constant 0 : i32
    %dma_start3A_197 = arith.constant 0 : i32
    %dma_start3A_198 = tpu.memref_slice %arg4[%dma_start3A_196, %dma_start3A_197] : memref<500000x128xf32, #tpu.memory_space<hbm>> -> memref<500000x128xf32, #tpu.memory_space<hbm>>
    tpu.enqueue_indirect_dma source(%dma_start3A_198 : memref<500000x128xf32, #tpu.memory_space<hbm>>) target(%dma_start3A_192 : memref<128x128xf32, #tpu.memory_space<vmem>>) offsets(%dma_start3A_195 : memref<128xi32, #tpu.memory_space<vmem>>) semaphore(%arg10 : memref<!tpu.dma_semaphore, #tpu.memory_space<semaphore_mem>>)
    %dma_start3A_199 = arith.constant 2 : i32
    %dma_start3A_200 = arith.constant 2 : i32
    %dma_start3A_201 = arith.constant 256 : i32
    %dma_start3A_202 = arith.constant 0 : i32
    %dma_start3A_203 = tpu.memref_slice %arg9[%dma_start3A_201, %dma_start3A_202] : memref<512x128xf32, #tpu.memory_space<vmem>> -> memref<128x128xf32, #tpu.memory_space<vmem>>
    %dma_start3A_204 = arith.constant 0 : i32
    %dma_start3A_205 = tpu.memref_slice %arg8[%dma_start3A_199, %dma_start3A_200, %dma_start3A_204] : memref<3x4x128xi32, #tpu.memory_space<vmem>> -> memref<1x1x128xi32, #tpu.memory_space<vmem>>
    %dma_start3A_206 = tpu.memref_squeeze %dma_start3A_205 : memref<1x1x128xi32, #tpu.memory_space<vmem>> -> memref<128xi32, #tpu.memory_space<vmem>>
    %dma_start3A_207 = arith.constant 0 : i32
    %dma_start3A_208 = arith.constant 0 : i32
    %dma_start3A_209 = tpu.memref_slice %arg4[%dma_start3A_207, %dma_start3A_208] : memref<500000x128xf32, #tpu.memory_space<hbm>> -> memref<500000x128xf32, #tpu.memory_space<hbm>>
    tpu.enqueue_indirect_dma source(%dma_start3A_209 : memref<500000x128xf32, #tpu.memory_space<hbm>>) target(%dma_start3A_203 : memref<128x128xf32, #tpu.memory_space<vmem>>) offsets(%dma_start3A_206 : memref<128xi32, #tpu.memory_space<vmem>>) semaphore(%arg10 : memref<!tpu.dma_semaphore, #tpu.memory_space<semaphore_mem>>)
    %dma_start3A_210 = arith.constant 2 : i32
    %dma_start3A_211 = arith.constant 3 : i32
    %dma_start3A_212 = arith.constant 384 : i32
    %dma_start3A_213 = arith.constant 0 : i32
    %dma_start3A_214 = tpu.memref_slice %arg9[%dma_start3A_212, %dma_start3A_213] : memref<512x128xf32, #tpu.memory_space<vmem>> -> memref<128x128xf32, #tpu.memory_space<vmem>>
    %dma_start3A_215 = arith.constant 0 : i32
    %dma_start3A_216 = tpu.memref_slice %arg8[%dma_start3A_210, %dma_start3A_211, %dma_start3A_215] : memref<3x4x128xi32, #tpu.memory_space<vmem>> -> memref<1x1x128xi32, #tpu.memory_space<vmem>>
    %dma_start3A_217 = tpu.memref_squeeze %dma_start3A_216 : memref<1x1x128xi32, #tpu.memory_space<vmem>> -> memref<128xi32, #tpu.memory_space<vmem>>
    %dma_start3A_218 = arith.constant 0 : i32
    %dma_start3A_219 = arith.constant 0 : i32
    %dma_start3A_220 = tpu.memref_slice %arg4[%dma_start3A_218, %dma_start3A_219] : memref<500000x128xf32, #tpu.memory_space<hbm>> -> memref<500000x128xf32, #tpu.memory_space<hbm>>
    tpu.enqueue_indirect_dma source(%dma_start3A_220 : memref<500000x128xf32, #tpu.memory_space<hbm>>) target(%dma_start3A_214 : memref<128x128xf32, #tpu.memory_space<vmem>>) offsets(%dma_start3A_217 : memref<128xi32, #tpu.memory_space<vmem>>) semaphore(%arg10 : memref<!tpu.dma_semaphore, #tpu.memory_space<semaphore_mem>>)
    %dma_wait3A_221 = arith.constant 2 : i32
    %dma_wait3A_222 = arith.constant 0 : i32
    %dma_wait3A_223 = arith.constant 0 : i32
    %dma_wait3A_224 = arith.constant 0 : i32
    %dma_wait3A_225 = tpu.memref_slice %arg9[%dma_wait3A_223, %dma_wait3A_224] : memref<512x128xf32, #tpu.memory_space<vmem>> -> memref<128x128xf32, #tpu.memory_space<vmem>>
    %dma_wait3A_226 = arith.constant 0 : i32
    %dma_wait3A_227 = tpu.memref_slice %arg8[%dma_wait3A_221, %dma_wait3A_222, %dma_wait3A_226] : memref<3x4x128xi32, #tpu.memory_space<vmem>> -> memref<1x1x128xi32, #tpu.memory_space<vmem>>
    %dma_wait3A_228 = tpu.memref_squeeze %dma_wait3A_227 : memref<1x1x128xi32, #tpu.memory_space<vmem>> -> memref<128xi32, #tpu.memory_space<vmem>>
    %dma_wait3A_229 = arith.constant 0 : i32
    %dma_wait3A_230 = arith.constant 0 : i32
    %dma_wait3A_231 = tpu.memref_slice %arg4[%dma_wait3A_229, %dma_wait3A_230] : memref<500000x128xf32, #tpu.memory_space<hbm>> -> memref<500000x128xf32, #tpu.memory_space<hbm>>
    tpu.wait_indirect_dma semaphore(%arg10 : memref<!tpu.dma_semaphore, #tpu.memory_space<semaphore_mem>>) src(%dma_wait3A_231 : memref<500000x128xf32, #tpu.memory_space<hbm>>) dst(%dma_wait3A_225 : memref<128x128xf32, #tpu.memory_space<vmem>>)
    %dma_wait3A_232 = arith.constant 2 : i32
    %dma_wait3A_233 = arith.constant 1 : i32
    %dma_wait3A_234 = arith.constant 128 : i32
    %dma_wait3A_235 = arith.constant 0 : i32
    %dma_wait3A_236 = tpu.memref_slice %arg9[%dma_wait3A_234, %dma_wait3A_235] : memref<512x128xf32, #tpu.memory_space<vmem>> -> memref<128x128xf32, #tpu.memory_space<vmem>>
    %dma_wait3A_237 = arith.constant 0 : i32
    %dma_wait3A_238 = tpu.memref_slice %arg8[%dma_wait3A_232, %dma_wait3A_233, %dma_wait3A_237] : memref<3x4x128xi32, #tpu.memory_space<vmem>> -> memref<1x1x128xi32, #tpu.memory_space<vmem>>
    %dma_wait3A_239 = tpu.memref_squeeze %dma_wait3A_238 : memref<1x1x128xi32, #tpu.memory_space<vmem>> -> memref<128xi32, #tpu.memory_space<vmem>>
    %dma_wait3A_240 = arith.constant 0 : i32
    %dma_wait3A_241 = arith.constant 0 : i32
    %dma_wait3A_242 = tpu.memref_slice %arg4[%dma_wait3A_240, %dma_wait3A_241] : memref<500000x128xf32, #tpu.memory_space<hbm>> -> memref<500000x128xf32, #tpu.memory_space<hbm>>
    tpu.wait_indirect_dma semaphore(%arg10 : memref<!tpu.dma_semaphore, #tpu.memory_space<semaphore_mem>>) src(%dma_wait3A_242 : memref<500000x128xf32, #tpu.memory_space<hbm>>) dst(%dma_wait3A_236 : memref<128x128xf32, #tpu.memory_space<vmem>>)
    %dma_wait3A_243 = arith.constant 2 : i32
    %dma_wait3A_244 = arith.constant 2 : i32
    %dma_wait3A_245 = arith.constant 256 : i32
    %dma_wait3A_246 = arith.constant 0 : i32
    %dma_wait3A_247 = tpu.memref_slice %arg9[%dma_wait3A_245, %dma_wait3A_246] : memref<512x128xf32, #tpu.memory_space<vmem>> -> memref<128x128xf32, #tpu.memory_space<vmem>>
    %dma_wait3A_248 = arith.constant 0 : i32
    %dma_wait3A_249 = tpu.memref_slice %arg8[%dma_wait3A_243, %dma_wait3A_244, %dma_wait3A_248] : memref<3x4x128xi32, #tpu.memory_space<vmem>> -> memref<1x1x128xi32, #tpu.memory_space<vmem>>
    %dma_wait3A_250 = tpu.memref_squeeze %dma_wait3A_249 : memref<1x1x128xi32, #tpu.memory_space<vmem>> -> memref<128xi32, #tpu.memory_space<vmem>>
    %dma_wait3A_251 = arith.constant 0 : i32
    %dma_wait3A_252 = arith.constant 0 : i32
    %dma_wait3A_253 = tpu.memref_slice %arg4[%dma_wait3A_251, %dma_wait3A_252] : memref<500000x128xf32, #tpu.memory_space<hbm>> -> memref<500000x128xf32, #tpu.memory_space<hbm>>
    tpu.wait_indirect_dma semaphore(%arg10 : memref<!tpu.dma_semaphore, #tpu.memory_space<semaphore_mem>>) src(%dma_wait3A_253 : memref<500000x128xf32, #tpu.memory_space<hbm>>) dst(%dma_wait3A_247 : memref<128x128xf32, #tpu.memory_space<vmem>>)
    %dma_wait3A_254 = arith.constant 2 : i32
    %dma_wait3A_255 = arith.constant 3 : i32
    %dma_wait3A_256 = arith.constant 384 : i32
    %dma_wait3A_257 = arith.constant 0 : i32
    %dma_wait3A_258 = tpu.memref_slice %arg9[%dma_wait3A_256, %dma_wait3A_257] : memref<512x128xf32, #tpu.memory_space<vmem>> -> memref<128x128xf32, #tpu.memory_space<vmem>>
    %dma_wait3A_259 = arith.constant 0 : i32
    %dma_wait3A_260 = tpu.memref_slice %arg8[%dma_wait3A_254, %dma_wait3A_255, %dma_wait3A_259] : memref<3x4x128xi32, #tpu.memory_space<vmem>> -> memref<1x1x128xi32, #tpu.memory_space<vmem>>
    %dma_wait3A_261 = tpu.memref_squeeze %dma_wait3A_260 : memref<1x1x128xi32, #tpu.memory_space<vmem>> -> memref<128xi32, #tpu.memory_space<vmem>>
    %dma_wait3A_262 = arith.constant 0 : i32
    %dma_wait3A_263 = arith.constant 0 : i32
    %dma_wait3A_264 = tpu.memref_slice %arg4[%dma_wait3A_262, %dma_wait3A_263] : memref<500000x128xf32, #tpu.memory_space<hbm>> -> memref<500000x128xf32, #tpu.memory_space<hbm>>
    tpu.wait_indirect_dma semaphore(%arg10 : memref<!tpu.dma_semaphore, #tpu.memory_space<semaphore_mem>>) src(%dma_wait3A_264 : memref<500000x128xf32, #tpu.memory_space<hbm>>) dst(%dma_wait3A_258 : memref<128x128xf32, #tpu.memory_space<vmem>>)
    "tpu.region"() ({
      %run_scoped3A = tpu.sem_alloc : memref<!tpu.dma_semaphore, #tpu.memory_space<semaphore_mem>>
      %dma_start3A_265 = arith.constant 0 : i32
      %dma_start3A_266 = tpu.memref_slice %arg7[%mul3A_2, %dma_start3A_265] : memref<16384x128xf32, #tpu.memory_space<hbm>> -> memref<512x128xf32, #tpu.memory_space<hbm>>
      %dma_start3A_267 = arith.constant 0 : i32
      %dma_start3A_268 = tpu.memref_slice %arg7[%mul3A_2, %dma_start3A_267] : memref<16384x128xf32, #tpu.memory_space<hbm>> -> memref<512x128xf32, #tpu.memory_space<hbm>>
      tpu.enqueue_dma source(%arg9 : memref<512x128xf32, #tpu.memory_space<vmem>>) target(%dma_start3A_268 : memref<512x128xf32, #tpu.memory_space<hbm>>) target_semaphore(%run_scoped3A : memref<!tpu.dma_semaphore, #tpu.memory_space<semaphore_mem>>)
      %dma_wait3A_269 = arith.constant 0 : i32
      %dma_wait3A_270 = tpu.memref_slice %arg7[%mul3A_2, %dma_wait3A_269] : memref<16384x128xf32, #tpu.memory_space<hbm>> -> memref<512x128xf32, #tpu.memory_space<hbm>>
      %dma_wait3A_271 = arith.constant 0 : i32
      %dma_wait3A_272 = tpu.memref_slice %arg7[%mul3A_2, %dma_wait3A_271] : memref<16384x128xf32, #tpu.memory_space<hbm>> -> memref<512x128xf32, #tpu.memory_space<hbm>>
      tpu.wait_dma2 semaphore(%run_scoped3A : memref<!tpu.dma_semaphore, #tpu.memory_space<semaphore_mem>>) src(%arg9 : memref<512x128xf32, #tpu.memory_space<vmem>>) dst(%dma_wait3A_272 : memref<512x128xf32, #tpu.memory_space<hbm>>)
      tpu.yield
    }) : () -> ()
    return
  }
}

</mosaic_0001>

<sc_bundles>
// kernel: kernel.3.cloned.1.call-start
scs
__scs_entry_jumppad:
0x0: {  	(pc) =	sbr.rel $0x88, $3  }
0x1: {  	(tag) =	ssettag $0x0;
	lr =	simm.s32 $0x1  }
0x2: {  	[smem:$0x3F9C] =	sst lr;
	_ =	strace $0xD0000000  }
0x3: {  	_ = 	snop  }
0x4: {  	_ = 	snop  }
0x5: {  	_ = 	snop  }
0x6: {  	_ = 	snop  }
0x7: {  	_ = 	snop  }
__scs_overlays_trampoline_lowered:
0x8: {  	[smem:$0x3FAB] =	sst s0  }
0x9: {  	[smem:$0x3FAC] =	sst s1  }
0xa: {  	[smem:$0x3FAD] =	sst s2  }
0xb: {  	[smem:$0x3FAE] =	sst s3  }
0xc: {  	[smem:$0x3FAF] =	sst s4  }
0xd: {  	[smem:$0x3FB0] =	sst s5  }
0xe: {  	[smem:$0x3FB1] =	sst s6  }
0xf: {  	[smem:$0x3FB2] =	sst s7  }
0x10: {  	[smem:$0x3FB3] =	sst s8  }
0x11: {  	[smem:$0x3FB4] =	sst s9;
	s0 =	simm.s32 @!p0 $0x0  }
0x12: {  	s1 =	sld [smem:$0x3F9A];
	s0 =	simm.s32 @p0 $0x1  }
0x13: {  	[smem:$0x3FB5] =	sst s0;
	s0 =	simm.s32 @!p1 $0x0  }
0x14: {  	s2 =	sld [smem:$0x3F99];
	s0 =	simm.s32 @p1 $0x1  }
0x15: {  	[smem:$0x3FB6] =	sst s0;
	s0 =	simm.s32 @!p2 $0x0  }
0x16: {  	s3 =	sld [smem:$0x3FDB];
	s0 =	simm.s32 @p2 $0x1  }
0x17: {  	s4 =	simm.s32 $0x1BF5;
	[smem:$0x3FB8] =	sst s0  }
0x18: {  	s0 =	sld [smem:$0x3F9B];
	_ =	swait.ge [sflag:s4], $0x0  }
0x19: {  	s7 =	sld [smem:$0x3F9C]  }
0x1a: {  	s8 =	sadd.s32 $0xFFFFE003, lr  }
0x1b: {  	s9 =	sadd.s32 $0xFFFFFEF7, lr;
	s5 =	simm.s32 $0xFFFFFFFF;
	p2 =	slt.u32 s8, $0xFFFFF086  }
0x1c: {  	p1 =	slt.u32 s9, $0xF7A;
	s5 =	simm.s32 @!p2 $0x0  }
0x1d: {  	s5 =	simm.s32 @p1 $0x1;
	p0 =	seq.s32 s7, s2  }
0x1e: {  	s7 =	smul.u32 @!p0 $0xF7A, s2;
	p2 =	seq.s32 @!p0 s5, $0x0  }
0x1f: {  	s9 =	smul.u32 $0xF7A, s1;
	s8 =	simm.s32 @!p0 $0x1BF5;
	p2 =	por !p2, p0  }
0x20: {  	[sflag:s8] =	ssyncset.s32 @!p0 $0xFFFFF086;
	s6 =	sadd.s32 @!p0 s3, s7;
	s7 =	simm.s32 @!p0 $0x108  }
0x21: {  	s3 =	sadd.s32 s3, s9;
	s6 =	sadd.s32 @!p0 $0x88, s6;
	s7 =	simm.s32 @p2 $0x1082  }
0x22: {  	[simem:s7], [sflag:s8] =	dma.local @!p0 [hbm:s6], $0xF7A  }
0x23: {  	s9 =	sor.u32 $0xD0000000, s2;
	s6 =	simm.s32 $0x108;
	_ =	swait.ge @!p0 [sflag:s8], $0x0  }
0x24: {  	s3 =	sadd.s32 $0x88, s3;
	s6 =	simm.s32 @!p1 $0x1082;
	[sflag:s4] =	ssyncset.s32 $0xFFFFF086  }
0x25: {  	[simem:s6], [sflag:s4] =	dma.local [hbm:s3], $0xF7A  }
0x26: {  	[smem:$0x3F9C] =	sst s1;
	(tag) =	ssettag s2;
	_ =	strace s9  }
0x27: {  	s1 =	sld [smem:$0x3FAC]  }
0x28: {  	s2 =	sld [smem:$0x3FAD]  }
0x29: {  	s4 =	sld [smem:$0x3FAF]  }
0x2a: {  	p0 =	seq.s32 s5, $0x0;
	s5 =	sld [smem:$0x3FB0]  }
0x2b: {  	s6 =	sld [smem:$0x3FB1]  }
0x2c: {  	s7 =	sld [smem:$0x3FB2]  }
0x2d: {  	s3 =	simm.s32 $0x108;
	s8 =	sld [smem:$0x3FB3]  }
0x2e: {  	s3 =	simm.s32 @!p0 $0x1082;
	s9 =	sld [smem:$0x3FB4]  }
0x2f: {  	lr =	sadd.s32 s0, s3;
	s0 =	sld [smem:$0x3FAB]  }
0x30: {  	s3 =	sld [smem:$0x3FAE]  }
0x31: {  	[smem:$0x3FB7] =	sst s10  }
0x32: {  	s10 =	sld [smem:$0x3FB5];
	_ =	sdelay $0x3  }
0x33: {  	p0 =	seq.s32 s10, $0x1;
	s10 =	sld [smem:$0x3FB7];
	_ =	sdelay $0x3  }
0x34: {  	[smem:$0x3FB7] =	sst s10  }
0x35: {  	s10 =	sld [smem:$0x3FB6];
	_ =	sdelay $0x3  }
0x36: {  	p1 =	seq.s32 s10, $0x1;
	s10 =	sld [smem:$0x3FB7];
	_ =	sdelay $0x3  }
0x37: {  	[smem:$0x3FB7] =	sst s10  }
0x38: {  	s10 =	sld [smem:$0x3FB8]  }
0x39: {  	_ = 	snop;
	(pc) =	sbr.ind lr, $3  }
0x3a: {  	_ = 	snop  }
0x3b: {  	_ = 	snop  }
0x3c: {  	p2 =	seq.s32 s10, $0x1;
	s10 =	sld [smem:$0x3FB7]  }
0x3d: {  	_ =	shalt  }
0x3e: {  	_ =	shalt  }
0x3f: {  	_ =	shalt  }
0x40: {  	_ =	shalt  }
0x41: {  	_ =	shalt  }
0x42: {  	_ =	shalt  }
0x43: {  	_ =	shalt  }
0x44: {  	_ =	shalt  }
0x45: {  	_ =	shalt  }
0x46: {  	_ =	shalt  }
0x47: {  	_ =	shalt  }
0x48: {  	_ =	shalt  }
0x49: {  	_ =	shalt  }
0x4a: {  	_ =	shalt  }
0x4b: {  	_ =	shalt  }
0x4c: {  	_ =	shalt  }
0x4d: {  	_ =	shalt  }
0x4e: {  	_ =	shalt  }
0x4f: {  	_ =	shalt  }
0x50: {  	_ =	shalt  }
0x51: {  	_ =	shalt  }
0x52: {  	_ =	shalt  }
0x53: {  	_ =	shalt  }
0x54: {  	_ =	shalt  }
0x55: {  	_ =	shalt  }
0x56: {  	_ =	shalt  }
0x57: {  	_ =	shalt  }
0x58: {  	_ =	shalt  }
0x59: {  	_ =	shalt  }
0x5a: {  	_ =	shalt  }
0x5b: {  	_ =	shalt  }
0x5c: {  	_ =	shalt  }
0x5d: {  	_ =	shalt  }
0x5e: {  	_ =	shalt  }
0x5f: {  	_ =	shalt  }
0x60: {  	_ =	shalt  }
0x61: {  	_ =	shalt  }
0x62: {  	_ =	shalt  }
0x63: {  	_ =	shalt  }
0x64: {  	_ =	shalt  }
0x65: {  	_ =	shalt  }
0x66: {  	_ =	shalt  }
0x67: {  	_ =	shalt  }
0x68: {  	_ =	shalt  }
0x69: {  	_ =	shalt  }
0x6a: {  	_ =	shalt  }
0x6b: {  	_ =	shalt  }
0x6c: {  	_ =	shalt  }
0x6d: {  	_ =	shalt  }
0x6e: {  	_ =	shalt  }
0x6f: {  	_ =	shalt  }
0x70: {  	_ =	shalt  }
0x71: {  	_ =	shalt  }
0x72: {  	_ =	shalt  }
0x73: {  	_ =	shalt  }
0x74: {  	_ =	shalt  }
0x75: {  	_ =	shalt  }
0x76: {  	_ =	shalt  }
0x77: {  	_ =	shalt  }
0x78: {  	_ =	shalt  }
0x79: {  	_ =	shalt  }
0x7a: {  	_ =	shalt  }
0x7b: {  	_ =	shalt  }
0x7c: {  	_ =	shalt  }
0x7d: {  	_ =	shalt  }
0x7e: {  	_ =	shalt  }
0x7f: {  	_ =	shalt  }
0x80: {  	_ =	shalt  }
0x81: {  	_ =	shalt  }
0x82: {  	_ =	shalt  }
0x83: {  	_ =	shalt  }
0x84: {  	_ =	shalt  }
0x85: {  	_ =	shalt  }
0x86: {  	_ =	shalt  }
0x87: {  	_ =	shalt  }
.Lfunc_end0:
.L_simem_size_0:
called_computation_lowered:
.L_overlay_start_0:
0x88: {  	s2 =	sld [smem:$0x3FD9]  }
0x89: {  	s3 =	sld [smem:$0x3FFE];
	_ =	sdelay $0x1  }
0x8a: {  	s1 =	srdreg.scid  }
0x8b: {  	s0 =	sand.u32 $0x1, s1  }
0x8c: {  	s17 =	sshll.u32 s0, $0xA;
	s2 =	sadd.s32 s3, s2  }
0x8d: {  	s2 =	sadd.s32 s2, s17  }
0x8e: {  	[smem:$0x3FC3] =	sst s2  }
0x8f: {  	_ = 	snop  }
0x90: {  	s2 =	sld [smem:$0x3FD0];
	(tm) =	ssettm $0x1  }
0x91: {  	s18 =	sld [smem:$0x3FFB];
	_ =	sdelay $0x3  }
0x92: {  	_ =	strace s18  }
0x93: {  	s3 =	sld [smem:$0x3FFC];
	_ =	sdelay $0x3  }
0x94: {  	_ =	strace s3  }
0x95: {  	s3 =	sld [smem:$0x3FFD];
	_ =	sdelay $0x3  }
0x96: {  	_ =	strace s3  }
0x97: {  	_ =	strace $0x8FFFFFFF  }
0x98: {  	s19 =	sld [smem:$0x3FDB];
	_ =	sdelay $0x1  }
0x99: {  	s4 =	simm.s32 $_scs_section_size  }
0x9a: {  	s5 =	simm.s32 $_size__tile_overlayer_lowered;
	s6 =	simm.s32 $_tile_overlayer_lowered  }
0x9b: {  	s22 =	simm.s32 $0x1BFF;
	s21 =	sshll.u32 s6, $0x1;
	s3 =	sadd.s32 s4, s19  }
0x9c: {  	s7 =	simm.s32 $0x0;
	s20 =	sshll.u32 s5, $0x1;
	s5 =	sadd.s32 s21, s3  }
0x9d: {  	[timem:s7], [sflag:s22] =	dma.local [hbm:s5], s20  }
0x9e: {  	_ =	swait.ge [sflag:s22], s20  }
0x9f: {  	s4 =	ssub.s32 $0x0, s20;
	[sflag:s22] =	ssyncset.done $0x0  }
0xa0: {  	[sflag:s22] =	ssyncadd.s32 s4;
	_ =	sdelay $0x1  }
0xa1: {  	s23 =	simm.s32 $0x1B8B  }
0xa2: {  	_ =	swait.ge [sflag:s23], $0x1  }
0xa3: {  	[sflag:s23] =	ssyncset.done $0x0  }
0xa4: {  	s25 =	simm.s32 $0x1B8E;
	s24 =	sld [smem:$0x3FFE];
	[sflag:s23] =	ssyncadd.s32 $0xFFFFFFFF  }
0xa5: {  	s26 =	simm.s32 $execute0_lowered;
	[smem:$0x3FD2] =	sst s25  }
0xa6: {  	s5 =	sshll.u32 s26, $0x1;
	_ =	strace $0x80000046;
	[dreg:$0x1] =	wrdreg $0xFFFFFFFF  }
0xa7: {  	s28 =	simm.s32 $_size_execute0_lowered;
	s3 =	sadd.s32 s3, s5;
	[dreg:$0x0] =	wrdreg $0x0  }
0xa8: {  	s5 =	sshll.u32 s28, $0x1;
	[dreg:$0x2] =	wrdreg s3  }
0xa9: {  	[dreg:$0x3] =	wrdreg s5  }
0xaa: {  	[dreg:$0x4] =	wrdreg $0xC0  }
0xab: {  	_ =	task [dreg:s7], $0x5FFFF  }
0xac: {  	[dreg:$0x1] =	wrdreg $0xFFFFFFFF  }
0xad: {  	[dreg:$0x0] =	wrdreg $0x60  }
0xae: {  	[dreg:$0x2] =	wrdreg s24  }
0xaf: {  	[dreg:$0x3] =	wrdreg s2  }
0xb0: {  	[dreg:$0x4] =	wrdreg $0x9  }
0xb1: {  	_ =	task.clear_ibuf [dreg:s7], $0x5FFFF;
	_ =	strace $0x90000046  }
0xb2: {  	s29 =	simm.s32 $0x9;
	_ =	strace $0x80000048  }
0xb3: {  	_ =	swait.ge [sflag:s29], $0x1  }
0xb4: {  	[sflag:s29] =	ssyncadd.s32 $0xFFFFFFFF  }
0xb5: {  	_ =	strace $0x90000048  }
0xb6: {  	_ =	sfence  }
0xb7: {  	s30 =	sld [smem:$0x0];
	_ =	sdelay $0x2  }
0xb8: {  	s31 =	sshll.u32 s1, $0xD;
	s1 =	sshrl.u32 s1, $0x2  }
0xb9: {  	s3 =	sand.u32 $0x4000, s31;
	s1 =	sadd.s32 s1, s30  }
0xba: {  	s0 =	sor.u32 s3, s0;
	s1 =	sshll.u32 s1, $0x11  }
0xbb: {  	s0 =	sor.u32 s1, s0  }
0xbc: {  	s0 =	sadd.s32 $0x8F2B, s0  }
0xbd: {  	[sflag:s0] =	ssyncadd.remote.s32 $0x1  }
0xbe: {  	_ =	sfence.sel $0xFFFF  }
0xbf: {  	[dreg:$0x0] =	wrdreg $0xFFFFFFFF;
	(pc) =	sbr.abs _section_cstart, $3  }
0xc0: {  	[dreg:$0x1] =	wrdreg $0xFFFFFFFF  }
0xc1: {  	_ =	task.clear_ibuf [dreg:s7], $0x2FFFF;
	_ =	strace $0x9FFFFFFF  }
0xc2: {  	(tm) =	ssettm $0x7FFFFFFF  }
0xc3: {  	_ =	shalt  }
tec
execute0_lowered:
.L_overlay_start_1:
0x0: {  	(tag) =	ssettag $0x1  }
0x1: {  	s1 =	srdreg.scid;
	s0 =	stileid.u32  }
0x2: {  	s25 =	sand.u32 $0x1, s1;
	s30 =	sshll.u32 s0, $0x1  }
0x3: {  	s20 =	rddreg [dreg:$0x0];
	s14 =	sor.u32 s25, s30  }
0x4: {  	s15 =	rddreg [dreg:$0x1];
	s3 =	smul.u32 $0xC0, s14  }
0x5: {  	s2 =	simm.s32 $0x0;
	s1 =	rddreg [dreg:$0x2]  }
0x6: {  	[smem:$0x7FF] =	sst s2;
	s3 =	sadd.s32 s3, s20  }
0x7: {  	_ =	strace $0x80000047;
	s4 =	sadd.s32 $0x1600, s3;
	s3 =	simm.s32 $0x2  }
0x8: {  	[tilespmem:s2], [sflag:$0x2] =	stream.linear.gather [hbm4b:s4+s2], $0x600, $0x38;
	[tilespmem:$0x10600] =	vst v63  }
0x9: {  	_ =	swait.ge [sflag:s3], $0x600  }
0xa: {  	s6 =	simm.s32 $0x80;
	[sflag:s3] =	ssyncset.done $0x0  }
0xb: {  	s7 =	simm.s32 $0x600;
	s5 =	sadd.s32 $0x16E4C00, s20;
	[sflag:s3] =	ssyncadd.s32 $0xFFFFFA00  }
0xc: {  	[tilespmem:s7], [sflag:$0x1] =	stream.indirect.gather [hbm4b:s5+s6], $0x80, s2, s6, $0xb8;
	[tilespmem:$0x10600] =	vst v63  }
0xd: {  	s8 =	simm.s32 $0x4600  }
0xe: {  	[tilespmem:s8], [sflag:$0x1] =	stream.indirect.gather [hbm4b:s5+s6], $0x80, s6, s6, $0xb8;
	[tilespmem:$0x10600] =	vst v63  }
0xf: {  	s9 =	simm.s32 $0x100;
	s10 =	simm.s32 $0x8600  }
0x10: {  	[tilespmem:s10], [sflag:$0x1] =	stream.indirect.gather [hbm4b:s5+s6], $0x80, s9, s6, $0xb8;
	[tilespmem:$0x10600] =	vst v63  }
0x11: {  	s11 =	simm.s32 $0x180;
	s12 =	simm.s32 $0xC600;
	s13 =	simm.s32 $0x1  }
0x12: {  	[tilespmem:s12], [sflag:$0x1] =	stream.indirect.gather [hbm4b:s5+s6], $0x80, s11, s6, $0xb8;
	[tilespmem:$0x10600] =	vst v63  }
0x13: {  	_ =	swait.ge [sflag:s13], $0x4000  }
0x14: {  	[sflag:s13] =	ssyncset.done $0x0  }
0x15: {  	[sflag:s13] =	ssyncadd.s32 $0xFFFFC000  }
0x16: {  	_ =	swait.ge [sflag:s13], $0x4000  }
0x17: {  	[sflag:s13] =	ssyncset.done $0x0  }
0x18: {  	[sflag:s13] =	ssyncadd.s32 $0xFFFFC000  }
0x19: {  	_ =	swait.ge [sflag:s13], $0x4000  }
0x1a: {  	[sflag:s13] =	ssyncset.done $0x0  }
0x1b: {  	[sflag:s13] =	ssyncadd.s32 $0xFFFFC000  }
0x1c: {  	_ =	swait.ge [sflag:s13], $0x4000  }
0x1d: {  	s21 =	sshll.u32 s14, $0xD;
	[sflag:s13] =	ssyncset.done $0x0  }
0x1e: {  	s14 =	sadd.s32 s15, s21;
	[sflag:s13] =	ssyncadd.s32 $0xFFFFC000  }
0x1f: {  	[hbm4b:s14+s2] =	stream.linear.scatter [tilespmem:s7], [sflag:$0x2], $0x10000, $0x38;
	[tilespmem:$0x10600] =	vst v63  }
0x20: {  	_ =	swait.ge [sflag:s3], $0x10000  }
0x21: {  	[sflag:s3] =	ssyncset.done $0x0  }
0x22: {  	s16 =	simm.s32 $0x200;
	s15 =	sadd.s32 $0xF43A00, s20;
	[sflag:s3] =	ssyncadd.s32 $0xFFFF0000  }
0x23: {  	[tilespmem:s7], [sflag:$0x1] =	stream.indirect.gather [hbm4b:s15+s6], $0x80, s16, s6, $0xb8;
	[tilespmem:$0x10600] =	vst v63  }
0x24: {  	s17 =	simm.s32 $0x280  }
0x25: {  	[tilespmem:s8], [sflag:$0x1] =	stream.indirect.gather [hbm4b:s15+s6], $0x80, s17, s6, $0xb8;
	[tilespmem:$0x10600] =	vst v63  }
0x26: {  	s18 =	simm.s32 $0x300  }
0x27: {  	[tilespmem:s10], [sflag:$0x1] =	stream.indirect.gather [hbm4b:s15+s6], $0x80, s18, s6, $0xb8;
	[tilespmem:$0x10600] =	vst v63  }
0x28: {  	s19 =	simm.s32 $0x380  }
0x29: {  	[tilespmem:s12], [sflag:$0x1] =	stream.indirect.gather [hbm4b:s15+s6], $0x80, s19, s6, $0xb8;
	[tilespmem:$0x10600] =	vst v63  }
0x2a: {  	_ =	swait.ge [sflag:s13], $0x4000  }
0x2b: {  	[sflag:s13] =	ssyncset.done $0x0  }
0x2c: {  	[sflag:s13] =	ssyncadd.s32 $0xFFFFC000  }
0x2d: {  	_ =	swait.ge [sflag:s13], $0x4000  }
0x2e: {  	[sflag:s13] =	ssyncset.done $0x0  }
0x2f: {  	[sflag:s13] =	ssyncadd.s32 $0xFFFFC000  }
0x30: {  	_ =	swait.ge [sflag:s13], $0x4000  }
0x31: {  	[sflag:s13] =	ssyncset.done $0x0  }
0x32: {  	[sflag:s13] =	ssyncadd.s32 $0xFFFFC000  }
0x33: {  	_ =	swait.ge [sflag:s13], $0x4000  }
0x34: {  	s26 =	sadd.s32 s21, s20;
	[sflag:s13] =	ssyncset.done $0x0  }
0x35: {  	s20 =	sadd.s32 $0x2E00, s26;
	[sflag:s13] =	ssyncadd.s32 $0xFFFFC000  }
0x36: {  	[hbm4b:s20+s2] =	stream.linear.scatter [tilespmem:s7], [sflag:$0x2], $0x10000, $0x38;
	[tilespmem:$0x10600] =	vst v63  }
0x37: {  	_ =	swait.ge [sflag:s3], $0x10000  }
0x38: {  	[sflag:s3] =	ssyncset.done $0x0  }
0x39: {  	s21 =	simm.s32 $0x400;
	[sflag:s3] =	ssyncadd.s32 $0xFFFF0000  }
0x3a: {  	[tilespmem:s7], [sflag:$0x1] =	stream.indirect.gather [hbm4b:s15+s6], $0x80, s21, s6, $0xb8;
	[tilespmem:$0x10600] =	vst v63  }
0x3b: {  	s22 =	simm.s32 $0x480  }
0x3c: {  	[tilespmem:s8], [sflag:$0x1] =	stream.indirect.gather [hbm4b:s15+s6], $0x80, s22, s6, $0xb8;
	[tilespmem:$0x10600] =	vst v63  }
0x3d: {  	s23 =	simm.s32 $0x500  }
0x3e: {  	[tilespmem:s10], [sflag:$0x1] =	stream.indirect.gather [hbm4b:s15+s6], $0x80, s23, s6, $0xb8;
	[tilespmem:$0x10600] =	vst v63  }
0x3f: {  	s24 =	simm.s32 $0x580  }
0x40: {  	[tilespmem:s12], [sflag:$0x1] =	stream.indirect.gather [hbm4b:s15+s6], $0x80, s24, s6, $0xb8;
	[tilespmem:$0x10600] =	vst v63  }
0x41: {  	_ =	swait.ge [sflag:s13], $0x4000  }
0x42: {  	[sflag:s13] =	ssyncset.done $0x0  }
0x43: {  	[sflag:s13] =	ssyncadd.s32 $0xFFFFC000  }
0x44: {  	_ =	swait.ge [sflag:s13], $0x4000  }
0x45: {  	[sflag:s13] =	ssyncset.done $0x0  }
0x46: {  	s25 =	ssub.s32 $0x2, s25;
	[sflag:s13] =	ssyncadd.s32 $0xFFFFC000  }
0x47: {  	s28 =	sshrl.u32 s25, $0x1;
	_ =	swait.ge [sflag:s13], $0x4000  }
0x48: {  	s28 =	ssub.s32 s25, s28;
	[sflag:s13] =	ssyncset.done $0x0  }
0x49: {  	s31 =	smax.u32 s28, $0x1;
	[sflag:s13] =	ssyncadd.s32 $0xFFFFC000  }
0x4a: {  	p0 =	sne.s32 s31, $0x1;
	_ =	swait.ge [sflag:s13], $0x4000  }
.Ltmp0:
0x4b: {  	[sflag:s13] =	ssyncset.done $0x0;
	(pc) =	sbr.rel @!p0 .LBB2_2-.Ltmp0, $4  }
0x4c: {  	s25 =	sadd.s32 $0x42E00, s26;
	[sflag:s13] =	ssyncadd.s32 $0xFFFFC000  }
0x4d: {  	[hbm4b:s25+s2] =	stream.linear.scatter [tilespmem:s7], [sflag:$0x2], $0x10000, $0x38;
	[tilespmem:$0x10600] =	vst v63  }
0x4e: {  	_ =	swait.ge [sflag:s3], $0x10000  }
0x4f: {  	s26 =	sadd.s32 $0xFFFFFFFF, s31;
	[sflag:s3] =	ssyncset.done $0x0  }
.LBB2_1:
0x50: {  	p0 =	sne.s32 s26, $0x1;
	s26 =	sadd.s32 $0xFFFFFFFF, s26;
	[sflag:s3] =	ssyncadd.s32 $0xFFFF0000  }
0x51: {  	[tilespmem:s2], [sflag:$0x2] =	stream.linear.gather [hbm4b:s4+s2], $0x600, $0x38;
	[tilespmem:$0x10600] =	vst v63  }
0x52: {  	_ =	swait.ge [sflag:s3], $0x600  }
0x53: {  	[sflag:s3] =	ssyncset.done $0x0  }
0x54: {  	[sflag:s3] =	ssyncadd.s32 $0xFFFFFA00  }
0x55: {  	[tilespmem:s7], [sflag:$0x1] =	stream.indirect.gather [hbm4b:s5+s6], $0x80, s2, s6, $0xb8;
	[tilespmem:$0x10600] =	vst v63  }
0x56: {  	_ = 	snop  }
0x57: {  	[tilespmem:s8], [sflag:$0x1] =	stream.indirect.gather [hbm4b:s5+s6], $0x80, s6, s6, $0xb8;
	[tilespmem:$0x10600] =	vst v63  }
0x58: {  	_ = 	snop  }
0x59: {  	[tilespmem:s10], [sflag:$0x1] =	stream.indirect.gather [hbm4b:s5+s6], $0x80, s9, s6, $0xb8;
	[tilespmem:$0x10600] =	vst v63  }
0x5a: {  	_ = 	snop  }
0x5b: {  	[tilespmem:s12], [sflag:$0x1] =	stream.indirect.gather [hbm4b:s5+s6], $0x80, s11, s6, $0xb8;
	[tilespmem:$0x10600] =	vst v63  }
0x5c: {  	_ =	swait.ge [sflag:s13], $0x4000  }
0x5d: {  	[sflag:s13] =	ssyncset.done $0x0  }
0x5e: {  	[sflag:s13] =	ssyncadd.s32 $0xFFFFC000  }
0x5f: {  	_ =	swait.ge [sflag:s13], $0x4000  }
0x60: {  	[sflag:s13] =	ssyncset.done $0x0  }
0x61: {  	[sflag:s13] =	ssyncadd.s32 $0xFFFFC000  }
0x62: {  	_ =	swait.ge [sflag:s13], $0x4000  }
0x63: {  	[sflag:s13] =	ssyncset.done $0x0  }
0x64: {  	[sflag:s13] =	ssyncadd.s32 $0xFFFFC000  }
0x65: {  	_ =	swait.ge [sflag:s13], $0x4000  }
0x66: {  	[sflag:s13] =	ssyncset.done $0x0  }
0x67: {  	[sflag:s13] =	ssyncadd.s32 $0xFFFFC000  }
0x68: {  	[hbm4b:s14+s2] =	stream.linear.scatter [tilespmem:s7], [sflag:$0x2], $0x10000, $0x38;
	[tilespmem:$0x10600] =	vst v63  }
0x69: {  	_ =	swait.ge [sflag:s3], $0x10000  }
0x6a: {  	[sflag:s3] =	ssyncset.done $0x0  }
0x6b: {  	[sflag:s3] =	ssyncadd.s32 $0xFFFF0000  }
0x6c: {  	[tilespmem:s7], [sflag:$0x1] =	stream.indirect.gather [hbm4b:s15+s6], $0x80, s16, s6, $0xb8;
	[tilespmem:$0x10600] =	vst v63  }
0x6d: {  	_ = 	snop  }
0x6e: {  	[tilespmem:s8], [sflag:$0x1] =	stream.indirect.gather [hbm4b:s15+s6], $0x80, s17, s6, $0xb8;
	[tilespmem:$0x10600] =	vst v63  }
0x6f: {  	_ = 	snop  }
0x70: {  	[tilespmem:s10], [sflag:$0x1] =	stream.indirect.gather [hbm4b:s15+s6], $0x80, s18, s6, $0xb8;
	[tilespmem:$0x10600] =	vst v63  }
0x71: {  	_ = 	snop  }
0x72: {  	[tilespmem:s12], [sflag:$0x1] =	stream.indirect.gather [hbm4b:s15+s6], $0x80, s19, s6, $0xb8;
	[tilespmem:$0x10600] =	vst v63  }
0x73: {  	_ =	swait.ge [sflag:s13], $0x4000  }
0x74: {  	[sflag:s13] =	ssyncset.done $0x0  }
0x75: {  	[sflag:s13] =	ssyncadd.s32 $0xFFFFC000  }
0x76: {  	_ =	swait.ge [sflag:s13], $0x4000  }
0x77: {  	[sflag:s13] =	ssyncset.done $0x0  }
0x78: {  	[sflag:s13] =	ssyncadd.s32 $0xFFFFC000  }
0x79: {  	_ =	swait.ge [sflag:s13], $0x4000  }
0x7a: {  	[sflag:s13] =	ssyncset.done $0x0  }
0x7b: {  	[sflag:s13] =	ssyncadd.s32 $0xFFFFC000  }
0x7c: {  	_ =	swait.ge [sflag:s13], $0x4000  }
0x7d: {  	[sflag:s13] =	ssyncset.done $0x0  }
0x7e: {  	[sflag:s13] =	ssyncadd.s32 $0xFFFFC000  }
0x7f: {  	[hbm4b:s20+s2] =	stream.linear.scatter [tilespmem:s7], [sflag:$0x2], $0x10000, $0x38;
	[tilespmem:$0x10600] =	vst v63  }
0x80: {  	_ =	swait.ge [sflag:s3], $0x10000  }
0x81: {  	[sflag:s3] =	ssyncset.done $0x0  }
0x82: {  	[sflag:s3] =	ssyncadd.s32 $0xFFFF0000  }
0x83: {  	[tilespmem:s7], [sflag:$0x1] =	stream.indirect.gather [hbm4b:s15+s6], $0x80, s21, s6, $0xb8;
	[tilespmem:$0x10600] =	vst v63  }
0x84: {  	_ = 	snop  }
0x85: {  	[tilespmem:s8], [sflag:$0x1] =	stream.indirect.gather [hbm4b:s15+s6], $0x80, s22, s6, $0xb8;
	[tilespmem:$0x10600] =	vst v63  }
0x86: {  	_ = 	snop  }
0x87: {  	[tilespmem:s10], [sflag:$0x1] =	stream.indirect.gather [hbm4b:s15+s6], $0x80, s23, s6, $0xb8;
	[tilespmem:$0x10600] =	vst v63  }
0x88: {  	_ = 	snop  }
0x89: {  	[tilespmem:s12], [sflag:$0x1] =	stream.indirect.gather [hbm4b:s15+s6], $0x80, s24, s6, $0xb8;
	[tilespmem:$0x10600] =	vst v63  }
0x8a: {  	_ =	swait.ge [sflag:s13], $0x4000  }
0x8b: {  	[sflag:s13] =	ssyncset.done $0x0  }
0x8c: {  	[sflag:s13] =	ssyncadd.s32 $0xFFFFC000  }
0x8d: {  	_ =	swait.ge [sflag:s13], $0x4000  }
0x8e: {  	[sflag:s13] =	ssyncset.done $0x0  }
0x8f: {  	[sflag:s13] =	ssyncadd.s32 $0xFFFFC000  }
0x90: {  	_ =	swait.ge [sflag:s13], $0x4000  }
0x91: {  	[sflag:s13] =	ssyncset.done $0x0  }
0x92: {  	[sflag:s13] =	ssyncadd.s32 $0xFFFFC000  }
0x93: {  	_ =	swait.ge [sflag:s13], $0x4000  }
.Ltmp1:
0x94: {  	[sflag:s13] =	ssyncset.done $0x0;
	(pc) =	sbr.rel @p0 .LBB2_1-.Ltmp1, $4  }
0x95: {  	[sflag:s13] =	ssyncadd.s32 $0xFFFFC000  }
0x96: {  	[hbm4b:s25+s2] =	stream.linear.scatter [tilespmem:s7], [sflag:$0x2], $0x10000, $0x38;
	[tilespmem:$0x10600] =	vst v63  }
0x97: {  	_ =	swait.ge [sflag:s3], $0x10000  }
0x98: {  	[sflag:s3] =	ssyncset.done $0x0  }
.LBB2_2:
0x99: {  	[sflag:s3] =	ssyncadd.s32 $0xFFFF0000  }
0x9a: {  	_ =	sfence.sel $0x180000  }
0x9b: {  	[bflag:$0x0] =	sbarrier.arrive $0xFFFF  }
0x9c: {  	p0 =	sne.s32 s0, $0x0;
	_ =	strace $0x90000047  }
0x9d: {  	s0 =	sadd.s32 @!p0 $0x100000, s1;
	[bflag:$0x2] =	sbarrier.arrive $0xFFFF  }
0x9e: {  	[sflag:s0] =	ssyncadd.tile.s32 @!p0 $0x1;
	_ =	shalt  }
.Lfunc_end2:
_tile_overlayer_lowered:
.L_overlay_start_2:
0x9f: {  	(tag) =	ssettag $0x2  }
0xa0: {  	s0 =	rddreg [dreg:$0x0];
	s2 =	stileid.u32  }
0xa1: {  	s1 =	rddreg [dreg:$0x1];
	p0 =	sne.s32 s2, $0x0  }
0xa2: {  	s3 =	rddreg [dreg:$0x2];
	[bflag:$0x3] =	sbarrier.arrive $0xFFFF;
	s2 =	simm.s32 @!p0 $0x1C02  }
0xa3: {  	[timem:s3], [sflag:s2] =	dma.local @!p0 [hbm:s0], s1  }
0xa4: {  	s0 =	simm.s32 @!p0 $0x2  }
0xa5: {  	_ =	swait.ge @!p0 [sflag:s0], s1  }
0xa6: {  	s1 =	ssub.s32 @!p0 $0x0, s1;
	[sflag:s0] =	ssyncset.done @!p0 $0x0  }
0xa7: {  	[sflag:s0] =	ssyncadd.s32 @!p0 s1  }
0xa8: {  	[bflag:$0x3] =	sbarrier.arrive $0xFFFF  }
0xa9: {  	_ =	shalt  }

</sc_bundles>
